<compile_context>
chip_gen: v7x
topology: tpu7x:2x2x1
jax: 0.10.2.dev20260603
libtpu: 0.0.44.dev20260713+nightly
codegen_flags: <defaults>
</compile_context>

<pallas_src>
import functools

import jax
import jax.numpy as jnp
from jax.experimental import pallas as pl

_NL = 128


def _fps_body(npoint, N, x_ref, out_ref):
    B = x_ref.shape[0]
    NS = x_ref.shape[2]
    x = x_ref[:, 0, :, :]
    y = x_ref[:, 1, :, :]
    z = x_ref[:, 2, :, :]
    iota_flat = (jax.lax.broadcasted_iota(jnp.int32, (B, NS, _NL), 1) * _NL
                 + jax.lax.broadcasted_iota(jnp.int32, (B, NS, _NL), 2))
    iota_np = jax.lax.broadcasted_iota(jnp.int32, (B, npoint), 1)

    dist0 = jnp.full((B, NS, _NL), 1e10, dtype=jnp.float32)
    far0 = jnp.zeros((B, 1, 1), dtype=jnp.int32)
    acc0 = jnp.zeros((B, npoint), dtype=jnp.int32)

    def step(j, carry):
        dist, far, acc = carry
        acc = jnp.where(iota_np == j, far[:, :, 0], acc)
        sel = iota_flat == far
        cx = jnp.sum(jnp.where(sel, x, 0.0), axis=(1, 2), keepdims=True)
        cy = jnp.sum(jnp.where(sel, y, 0.0), axis=(1, 2), keepdims=True)
        cz = jnp.sum(jnp.where(sel, z, 0.0), axis=(1, 2), keepdims=True)
        d = (x - cx) ** 2 + (y - cy) ** 2 + (z - cz) ** 2
        dist = jnp.minimum(dist, d)
        m = jnp.max(dist, axis=(1, 2), keepdims=True)
        far2 = jnp.min(jnp.where(dist == m, iota_flat, N), axis=(1, 2),
                       keepdims=True).astype(jnp.int32)
        return dist, far2, acc

    _, _, acc = jax.lax.fori_loop(0, npoint, step, (dist0, far0, acc0))
    out_ref[:, :] = acc


def _fps_pallas(xyz, npoint):
    B, N, _ = xyz.shape
    NS = N // _NL
    xr = jnp.transpose(xyz, (0, 2, 1)).reshape(B, 3, NS, _NL)
    return pl.pallas_call(
        functools.partial(_fps_body, npoint, N),
        out_shape=jax.ShapeDtypeStruct((B, npoint), jnp.int32),
    )(xr)


def _square_distance(src, dst):
    dist = -2.0 * jnp.einsum('bnc,bmc->bnm', src, dst)
    dist = dist + jnp.sum(src ** 2, -1)[:, :, None]
    dist = dist + jnp.sum(dst ** 2, -1)[:, None, :]
    return dist


def _index_points(points, idx):
    return jax.vmap(lambda p, i: p[i])(points, idx)


def _fps(xyz, npoint):
    B, N, _ = xyz.shape
    distance = jnp.full((B, N), 1e10, dtype=xyz.dtype)
    farthest = jnp.zeros((B,), dtype=jnp.int32)

    def step(carry, _):
        dist_c, far_c = carry
        centroid = jnp.take_along_axis(xyz, far_c[:, None, None], axis=1)
        d = jnp.sum((xyz - centroid) ** 2, -1)
        dist_c = jnp.minimum(dist_c, d)
        new_far = jnp.argmax(dist_c, -1).astype(jnp.int32)
        return (dist_c, new_far), far_c

    _, cent = jax.lax.scan(step, (distance, farthest), None, length=npoint)
    return jnp.transpose(cent)


def _bq_body(N, nsample, keys_ref, out_ref):
    keys0 = keys_ref[0]
    St = keys0.shape[0]
    iota_k = jax.lax.broadcasted_iota(jnp.int32, (St, nsample), 1)
    acc0 = jnp.zeros((St, nsample), dtype=jnp.int32)

    def step(j, carry):
        keys, acc = carry
        m = jnp.min(keys, axis=-1, keepdims=True)
        acc = jnp.where(iota_k == j, m, acc)
        keys = jnp.where(keys == m, N, keys)
        return keys, acc

    _, acc = jax.lax.fori_loop(0, nsample, step, (keys0, acc0))
    acc = jnp.where(acc == N, acc[:, 0:1], acc)
    out_ref[0] = acc


def _query_ball(radius, nsample, xyz, new_xyz):
    B, N, _ = xyz.shape
    S = new_xyz.shape[1]
    St = min(S, 128)
    sqrdists = _square_distance(new_xyz, xyz)
    iota_n = jnp.arange(N, dtype=jnp.int32)
    keys = jnp.where(sqrdists > radius ** 2, N, iota_n[None, None, :])
    grid = (B, S // St)
    return pl.pallas_call(
        functools.partial(_bq_body, N, nsample),
        grid=grid,
        in_specs=[
            pl.BlockSpec((1, St, N), lambda b, s: (b, s, 0)),
        ],
        out_specs=pl.BlockSpec((1, St, nsample), lambda b, s: (b, s, 0)),
        out_shape=jax.ShapeDtypeStruct((B, S, nsample), jnp.int32),
    )(keys)


def _apply_mlp(x, layers, bn_axes):
    for (W, b, g, be) in layers:
        x = x @ W.T + b
        mean = jnp.mean(x, axis=bn_axes, keepdims=True)
        var = jnp.var(x, axis=bn_axes, keepdims=True)
        x = g * (x - mean) / jnp.sqrt(var + 1e-5) + be
        x = jax.nn.relu(x)
    return x


def _set_abstraction(xyz, points, npoint, radius, nsample, layers, group_all):
    if group_all:
        new_xyz = jnp.mean(xyz, axis=1, keepdims=True)
        grouped = points[:, None, :, :]
    else:
        fps_idx = _fps_pallas(xyz, npoint)
        new_xyz = _index_points(xyz, fps_idx)
        idx = _query_ball(radius, nsample, xyz, new_xyz)
        grouped_points = _index_points(points, idx)
        grouped_xyz = _index_points(xyz, idx) - new_xyz[:, :, None, :]
        grouped = jnp.concatenate([grouped_xyz, grouped_points], axis=-1)
    x = _apply_mlp(grouped, layers, (0, 1, 2))
    new_points = jnp.max(x, axis=2)
    return new_xyz, new_points


def _fp_body(n2, d2_ref, idx_ref, p2_ref, out_ref):
    d2 = d2_ref[0]
    idx = idx_ref[0]
    p2 = p2_ref[0]
    St = d2.shape[0]
    iota_n = jax.lax.broadcasted_iota(jnp.int32, (St, n2), 1)
    r = [1.0 / (d2[:, j:j + 1] + 1e-8) for j in range(3)]
    norm = r[0] + r[1] + r[2]
    a = jnp.concatenate(
        [(iota_n == idx[:, j:j + 1]).astype(jnp.float32) for j in range(3)],
        axis=0)
    g = jax.lax.dot(a, p2, precision=jax.lax.Precision.HIGHEST,
                    preferred_element_type=jnp.float32)
    out_ref[0] = ((g[0:St] * (r[0] / norm) + g[St:2 * St] * (r[1] / norm))
                  + g[2 * St:3 * St] * (r[2] / norm))


def _fp_interp_pallas(dist2, idx, points2, interpret=False):
    B, n1, _ = dist2.shape
    n2, C2 = points2.shape[-2], points2.shape[-1]
    St = min(n1, 128)
    grid = (B, n1 // St)
    return pl.pallas_call(
        functools.partial(_fp_body, n2),
        grid=grid,
        in_specs=[
            pl.BlockSpec((1, St, 3), lambda b, s: (b, s, 0)),
            pl.BlockSpec((1, St, 3), lambda b, s: (b, s, 0)),
            pl.BlockSpec((1, n2, C2), lambda b, s: (b, 0, 0)),
        ],
        out_specs=pl.BlockSpec((1, St, C2), lambda b, s: (b, s, 0)),
        out_shape=jax.ShapeDtypeStruct((B, n1, C2), jnp.float32),
        interpret=interpret,
    )(dist2, idx, points2)


def _feature_propagation(xyz1, xyz2, points1, points2, layers):
    M = xyz2.shape[1]
    if M < 3:
        interp = jnp.broadcast_to(
            points2[:, :1, :], (points2.shape[0], xyz1.shape[1],
                                points2.shape[2]))
    else:
        dist = _square_distance(xyz1, xyz2)
        neg, idx = jax.lax.top_k(-dist, 3)
        dist2 = -neg
        dist_recip = 1.0 / (dist2 + 1e-8)
        norm = jnp.sum(dist_recip, axis=2, keepdims=True)
        weight = dist_recip / norm
        gathered = _index_points(points2, idx)
        interp = jnp.sum(gathered * weight[..., None], axis=2)
    if points1 is not None:
        new_points = jnp.concatenate([points1, interp], axis=-1)
    else:
        new_points = interp
    return _apply_mlp(new_points, layers, (0, 1))


def kernel(xyz, params):
    l0_xyz = xyz[:, :, :3]
    l0_points = xyz
    l1_xyz, l1_points = _set_abstraction(
        l0_xyz, l0_points, 1024, 0.2, 32, params['sa1'], False)
    l2_xyz, l2_points = _set_abstraction(
        l1_xyz, l1_points, 256, 0.4, 32, params['sa2'], False)
    l3_xyz, l3_points = _set_abstraction(
        l2_xyz, l2_points, 64, 0.8, 32, params['sa3'], False)
    l4_xyz, l4_points = _set_abstraction(
        l3_xyz, l3_points, None, None, None, params['sa4'], True)
    l3_points = _feature_propagation(
        l3_xyz, l4_xyz, l3_points, l4_points, params['fp4'])
    l2_points = _feature_propagation(
        l2_xyz, l3_xyz, l2_points, l3_points, params['fp3'])
    l1_points = _feature_propagation(
        l1_xyz, l2_xyz, l1_points, l2_points, params['fp2'])
    l0_out = _feature_propagation(
        l0_xyz, l1_xyz, l0_points, l1_points, params['fp1'])
    x = _apply_mlp(l0_out, params['head'], (0, 1))
    W2, b2 = params['conv2']
    x = x @ W2.T + b2
    return x

# --- scband reference (transcript-rebuilt; emitter-appended) ---
"""Pipeline reference for scband-point-net2-seg-53412213293941 (READ-ONLY COPY).

The authoritative reference and input builder live on the scoring server;
editing this copy changes nothing except your own understanding.
"""

import jax, jax.numpy as jnp
import numpy as np


def square_distance(src, dst):
    dist = -2.0 * jnp.einsum('bnc,bmc->bnm', src, dst)
    dist = dist + jnp.sum(src ** 2, -1)[:, :, None]
    dist = dist + jnp.sum(dst ** 2, -1)[:, None, :]
    return dist


def index_points(points, idx):
    return jax.vmap(lambda p, i: p[i])(points, idx)


def farthest_point_sample(xyz, npoint):
    xyz = jax.lax.stop_gradient(xyz)
    B, N, _ = xyz.shape
    distance = jnp.full((B, N), 1e10, dtype=xyz.dtype)
    farthest = jnp.zeros((B,), dtype=jnp.int32)
    def step(carry, _):
        dist_c, far_c = carry
        centroid = jnp.take_along_axis(xyz, far_c[:, None, None], axis=1)
        d = jnp.sum((xyz - centroid) ** 2, -1)
        dist_c = jnp.minimum(dist_c, d)
        new_far = jnp.argmax(dist_c, -1).astype(jnp.int32)
        return (dist_c, new_far), far_c
    _, cent = jax.lax.scan(step, (distance, farthest), None, length=npoint)
    return jnp.transpose(cent)


def query_ball_point(radius, nsample, xyz, new_xyz):
    xyz = jax.lax.stop_gradient(xyz)
    new_xyz = jax.lax.stop_gradient(new_xyz)
    B, N, _ = xyz.shape
    S = new_xyz.shape[1]
    sqrdists = square_distance(new_xyz, xyz)
    group_idx = jnp.broadcast_to(jnp.arange(N, dtype=jnp.int32)[None, None, :], (B, S, N))
    group_idx = jnp.where(sqrdists > radius ** 2, N, group_idx)
    group_idx = jnp.sort(group_idx, axis=-1)[:, :, :nsample]
    group_first = jnp.broadcast_to(group_idx[:, :, :1], group_idx.shape)
    group_idx = jnp.where(group_idx == N, group_first, group_idx)
    return group_idx


def apply_mlp(x, layers, bn_axes):
    for (W, b, g, be) in layers:
        x = x @ W.T + b
        mean = jnp.mean(x, axis=bn_axes, keepdims=True)
        var = jnp.var(x, axis=bn_axes, keepdims=True)
        x = g * (x - mean) / jnp.sqrt(var + 1e-5) + be
        x = jax.nn.relu(x)
    return x


def set_abstraction(xyz, points, npoint, radius, nsample, layers, group_all):
    if group_all:
        new_xyz = jnp.mean(xyz, axis=1, keepdims=True)
        grouped = points[:, None, :, :]
    else:
        fps_idx = farthest_point_sample(xyz, npoint)
        new_xyz = index_points(xyz, fps_idx)
        idx = query_ball_point(radius, nsample, xyz, new_xyz)
        grouped_points = index_points(points, idx)
        grouped_xyz = index_points(xyz, idx) - new_xyz[:, :, None, :]
        grouped = jnp.concatenate([grouped_xyz, grouped_points], axis=-1)
    x = apply_mlp(grouped, layers, (0, 1, 2))
    new_points = jnp.max(x, axis=2)
    return new_xyz, new_points


def feature_propagation(xyz1, xyz2, points1, points2, layers):
    M = xyz2.shape[1]
    k = min(3, M)
    dist = square_distance(xyz1, xyz2)
    neg, idx = jax.lax.top_k(-dist, k)
    dist2 = -neg
    dist_recip = 1.0 / (dist2 + 1e-8)
    norm = jnp.sum(dist_recip, axis=2, keepdims=True)
    weight = dist_recip / norm
    gathered = index_points(points2, idx)
    interp = jnp.sum(gathered * weight[..., None], axis=2)
    if points1 is not None:
        new_points = jnp.concatenate([points1, interp], axis=-1)
    else:
        new_points = interp
    return apply_mlp(new_points, layers, (0, 1))


def _mlp_params(key, dims):
    layers = []
    for cin, cout in zip(dims[:-1], dims[1:]):
        key, k1 = jax.random.split(key)
        W = jax.random.normal(k1, (cout, cin), dtype=jnp.float32) / np.sqrt(float(cin))
        layers.append((W, jnp.zeros((cout,), jnp.float32), jnp.ones((cout,), jnp.float32), jnp.zeros((cout,), jnp.float32)))
    return key, layers


def _forward(xyz, params):
    l0_xyz = xyz[:, :, :3]
    l0_points = xyz
    l1_xyz, l1_points = set_abstraction(l0_xyz, l0_points, 1024, 0.2, 32, params['sa1'], False)
    l2_xyz, l2_points = set_abstraction(l1_xyz, l1_points, 256, 0.4, 32, params['sa2'], False)
    l3_xyz, l3_points = set_abstraction(l2_xyz, l2_points, 64, 0.8, 32, params['sa3'], False)
    l4_xyz, l4_points = set_abstraction(l3_xyz, l3_points, None, None, None, params['sa4'], True)
    l3_points = feature_propagation(l3_xyz, l4_xyz, l3_points, l4_points, params['fp4'])
    l2_points = feature_propagation(l2_xyz, l3_xyz, l2_points, l3_points, params['fp3'])
    l1_points = feature_propagation(l1_xyz, l2_xyz, l1_points, l2_points, params['fp2'])
    l0_out = feature_propagation(l0_xyz, l1_xyz, l0_points, l1_points, params['fp1'])
    x = apply_mlp(l0_out, params['head'], (0, 1))
    W2, b2 = params['conv2']
    x = x @ W2.T + b2
    return x


def setup_inputs(seed: int = 0):
    key = jax.random.key(seed)
    key, kx = jax.random.split(key)
    xyz = jax.random.uniform(kx, (4, 4096, 6), dtype=jnp.float32)
    params = {}
    key, params['sa1'] = _mlp_params(key, [9, 64, 64, 128])
    key, params['sa2'] = _mlp_params(key, [131, 128, 128, 256])
    key, params['sa3'] = _mlp_params(key, [259, 256, 256, 512])
    key, params['sa4'] = _mlp_params(key, [512, 512, 512, 1024])
    key, params['fp4'] = _mlp_params(key, [1536, 512, 512])
    key, params['fp3'] = _mlp_params(key, [768, 256, 256])
    key, params['fp2'] = _mlp_params(key, [384, 256, 128])
    key, params['fp1'] = _mlp_params(key, [134, 128, 128, 128])
    key, params['head'] = _mlp_params(key, [128, 128])
    key, k2 = jax.random.split(key)
    params['conv2'] = (jax.random.normal(k2, (13, 128), dtype=jnp.float32) / np.sqrt(128.0), jnp.zeros((13,), jnp.float32))
    return {'xyz': xyz, 'params': params}


def reference(xyz, params):
    return _forward(xyz, params)

if __name__ == "__main__":
    import jax
    _d = setup_inputs()
    print(jax.jit(kernel)(*tuple(_d.values())))

</pallas_src>

<mosaic_0001>
module attributes {stable_mosaic.version = 14 : i64} {
  func.func @_fps_body(%arg0: memref<4x3x32x128xf32, #tpu.memory_space<vmem>>, %arg1: memref<4x1024xi32, #tpu.memory_space<vmem>>) attributes {dimension_semantics = [], scalar_prefetch = 0 : i64, scratch_operands = 0 : i64, tpu.core_type = #tpu.core_type<tc>} {
    %get3A = arith.constant 0 : index
    %get3A_0 = arith.constant 0 : index
    %get3A_1 = arith.constant 0 : index
    %get3A_2 = arith.constant 0 : index
    %get3A_3 = vector.load %arg0[%get3A, %get3A_0, %get3A_1, %get3A_2] : memref<4x3x32x128xf32, #tpu.memory_space<vmem>>, vector<4x1x32x128xf32>
    %get3A_4 = vector.shape_cast %get3A_3 : vector<4x1x32x128xf32> to vector<4x32x128xf32>
    %get3A_5 = arith.constant 0 : index
    %get3A_6 = arith.constant 1 : index
    %get3A_7 = arith.constant 0 : index
    %get3A_8 = arith.constant 0 : index
    %get3A_9 = vector.load %arg0[%get3A_5, %get3A_6, %get3A_7, %get3A_8] : memref<4x3x32x128xf32, #tpu.memory_space<vmem>>, vector<4x1x32x128xf32>
    %get3A_10 = vector.shape_cast %get3A_9 : vector<4x1x32x128xf32> to vector<4x32x128xf32>
    %get3A_11 = arith.constant 0 : index
    %get3A_12 = arith.constant 2 : index
    %get3A_13 = arith.constant 0 : index
    %get3A_14 = arith.constant 0 : index
    %get3A_15 = vector.load %arg0[%get3A_11, %get3A_12, %get3A_13, %get3A_14] : memref<4x3x32x128xf32, #tpu.memory_space<vmem>>, vector<4x1x32x128xf32>
    %get3A_16 = vector.shape_cast %get3A_15 : vector<4x1x32x128xf32> to vector<4x32x128xf32>
    %iota3A = tpu.iota {dimensions = array<i32: 1>} : vector<4x32x128xi32>
    %mul3A = arith.constant 128 : i32
    %mul3A_17 = vector.broadcast %mul3A : i32 to vector<4x32x128xi32>
    %mul3A_18 = arith.muli %iota3A, %mul3A_17 : vector<4x32x128xi32>
    %iota3A_19 = tpu.iota {dimensions = array<i32: 2>} : vector<4x32x128xi32>
    %add3A = arith.addi %mul3A_18, %iota3A_19 : vector<4x32x128xi32>
    %iota3A_20 = tpu.iota {dimensions = array<i32: 1>} : vector<4x1024xi32>
    %broadcast_in_dim3A = arith.constant 1.000000e+10 : f32
    %broadcast_in_dim3A_21 = vector.broadcast %broadcast_in_dim3A : f32 to vector<4x32x128xf32>
    %broadcast_in_dim3A_22 = arith.constant 0 : i32
    %broadcast_in_dim3A_23 = vector.broadcast %broadcast_in_dim3A_22 : i32 to vector<4x1x1xi32>
    %broadcast_in_dim3A_24 = arith.constant 0 : i32
    %broadcast_in_dim3A_25 = vector.broadcast %broadcast_in_dim3A_24 : i32 to vector<4x1024xi32>
    %scan3A = arith.constant 0 : i32
    %scan3A_26 = arith.constant 1024 : i32
    %scan3A_27 = arith.addi %scan3A, %scan3A_26 : i32
    %scan3A_28 = arith.constant 1 : i32
    %scan3A_29:3 = scf.for %scan3A_33 = %scan3A to %scan3A_27 step %scan3A_28 iter_args(%scan3A_34 = %broadcast_in_dim3A_21, %scan3A_35 = %broadcast_in_dim3A_23, %scan3A_36 = %broadcast_in_dim3A_25) -> (vector<4x32x128xf32>, vector<4x1x1xi32>, vector<4x1024xi32>)  : i32 {
      %eq3A = vector.broadcast %scan3A_33 : i32 to vector<4x1024xi32>
      %eq3A_37 = arith.cmpi eq, %iota3A_20, %eq3A : vector<4x1024xi32>
      %squeeze3A = vector.shape_cast %scan3A_35 : vector<4x1x1xi32> to vector<4x1xi32>
      %broadcast_in_dim3A_38 = vector.shape_cast %squeeze3A : vector<4x1xi32> to vector<4x1xi32>
      %broadcast_in_dim3A_39 = vector.broadcast %broadcast_in_dim3A_38 : vector<4x1xi32> to vector<4x1024xi32>
      %select_n3A = arith.select %eq3A_37, %broadcast_in_dim3A_39, %scan3A_36 : vector<4x1024xi1>, vector<4x1024xi32>
      %eq3A_40 = vector.broadcast %scan3A_35 : vector<4x1x1xi32> to vector<4x32x128xi32>
      %eq3A_41 = arith.cmpi eq, %add3A, %eq3A_40 : vector<4x32x128xi32>
      %jit3A = arith.constant 0.000000e+00 : f32
      %broadcast_in_dim3A_42 = vector.broadcast %jit3A : f32 to vector<4x32x128xf32>
      %select_n3A_43 = arith.select %eq3A_41, %get3A_4, %broadcast_in_dim3A_42 : vector<4x32x128xi1>, vector<4x32x128xf32>
      %reduce_sum3A = arith.constant dense<0.000000e+00> : vector<4xf32>
      %reduce_sum3A_44 = vector.multi_reduction <add>, %select_n3A_43, %reduce_sum3A [1, 2] : vector<4x32x128xf32> to vector<4xf32>
      %broadcast_in_dim3A_45 = vector.shape_cast %reduce_sum3A_44 : vector<4xf32> to vector<4x1x1xf32>
      %jit3A_46 = arith.constant 0.000000e+00 : f32
      %broadcast_in_dim3A_47 = vector.broadcast %jit3A_46 : f32 to vector<4x32x128xf32>
      %select_n3A_48 = arith.select %eq3A_41, %get3A_10, %broadcast_in_dim3A_47 : vector<4x32x128xi1>, vector<4x32x128xf32>
      %reduce_sum3A_49 = arith.constant dense<0.000000e+00> : vector<4xf32>
      %reduce_sum3A_50 = vector.multi_reduction <add>, %select_n3A_48, %reduce_sum3A_49 [1, 2] : vector<4x32x128xf32> to vector<4xf32>
      %broadcast_in_dim3A_51 = vector.shape_cast %reduce_sum3A_50 : vector<4xf32> to vector<4x1x1xf32>
      %jit3A_52 = arith.constant 0.000000e+00 : f32
      %broadcast_in_dim3A_53 = vector.broadcast %jit3A_52 : f32 to vector<4x32x128xf32>
      %select_n3A_54 = arith.select %eq3A_41, %get3A_16, %broadcast_in_dim3A_53 : vector<4x32x128xi1>, vector<4x32x128xf32>
      %reduce_sum3A_55 = arith.constant dense<0.000000e+00> : vector<4xf32>
      %reduce_sum3A_56 = vector.multi_reduction <add>, %select_n3A_54, %reduce_sum3A_55 [1, 2] : vector<4x32x128xf32> to vector<4xf32>
      %broadcast_in_dim3A_57 = vector.shape_cast %reduce_sum3A_56 : vector<4xf32> to vector<4x1x1xf32>
      %sub3A = vector.broadcast %broadcast_in_dim3A_45 : vector<4x1x1xf32> to vector<4x32x128xf32>
      %sub3A_58 = arith.subf %get3A_4, %sub3A : vector<4x32x128xf32>
      %integer_pow3A = arith.mulf %sub3A_58, %sub3A_58 : vector<4x32x128xf32>
      %sub3A_59 = vector.broadcast %broadcast_in_dim3A_51 : vector<4x1x1xf32> to vector<4x32x128xf32>
      %sub3A_60 = arith.subf %get3A_10, %sub3A_59 : vector<4x32x128xf32>
      %integer_pow3A_61 = arith.mulf %sub3A_60, %sub3A_60 : vector<4x32x128xf32>
      %add3A_62 = arith.addf %integer_pow3A, %integer_pow3A_61 : vector<4x32x128xf32>
      %sub3A_63 = vector.broadcast %broadcast_in_dim3A_57 : vector<4x1x1xf32> to vector<4x32x128xf32>
      %sub3A_64 = arith.subf %get3A_16, %sub3A_63 : vector<4x32x128xf32>
      %integer_pow3A_65 = arith.mulf %sub3A_64, %sub3A_64 : vector<4x32x128xf32>
      %add3A_66 = arith.addf %add3A_62, %integer_pow3A_65 : vector<4x32x128xf32>
      %min3A = arith.minimumf %scan3A_34, %add3A_66 : vector<4x32x128xf32>
      %reduce_max3A = arith.constant dense<0xFF800000> : vector<4xf32>
      %reduce_max3A_67 = vector.multi_reduction <maximumf>, %min3A, %reduce_max3A [1, 2] : vector<4x32x128xf32> to vector<4xf32>
      %broadcast_in_dim3A_68 = vector.shape_cast %reduce_max3A_67 : vector<4xf32> to vector<4x1x1xf32>
      %eq3A_69 = vector.broadcast %broadcast_in_dim3A_68 : vector<4x1x1xf32> to vector<4x32x128xf32>
      %eq3A_70 = arith.cmpf oeq, %min3A, %eq3A_69 : vector<4x32x128xf32>
      %jit3A_71 = arith.constant 4096 : i32
      %broadcast_in_dim3A_72 = vector.broadcast %jit3A_71 : i32 to vector<4x32x128xi32>
      %select_n3A_73 = arith.select %eq3A_70, %add3A, %broadcast_in_dim3A_72 : vector<4x32x128xi1>, vector<4x32x128xi32>
      %reduce_min3A = arith.constant dense<2147483647> : vector<4xi32>
      %reduce_min3A_74 = vector.multi_reduction <minsi>, %select_n3A_73, %reduce_min3A [1, 2] : vector<4x32x128xi32> to vector<4xi32>
      %broadcast_in_dim3A_75 = vector.shape_cast %reduce_min3A_74 : vector<4xi32> to vector<4x1x1xi32>
      scf.yield %min3A, %broadcast_in_dim3A_75, %select_n3A : vector<4x32x128xf32>, vector<4x1x1xi32>, vector<4x1024xi32>
    }
    %scan3A_30 = arith.constant 1024 : i32
    %swap3A = arith.constant 0 : index
    %swap3A_31 = arith.constant 0 : index
    %swap3A_32 = vector.load %arg1[%swap3A, %swap3A_31] : memref<4x1024xi32, #tpu.memory_space<vmem>>, vector<4x1024xi32>
    tpu.vector_store %arg1[%swap3A, %swap3A_31], %scan3A_29#2 {strides = array<i32>} : memref<4x1024xi32, #tpu.memory_space<vmem>>, vector<4x1024xi32>,
    return
  }
}

module attributes {stable_mosaic.version = 14 : i64} {
  func.func @_fps_body(%arg0: memref<4x3x8x128xf32, #tpu.memory_space<vmem>>, %arg1: memref<4x256xi32, #tpu.memory_space<vmem>>) attributes {dimension_semantics = [], scalar_prefetch = 0 : i64, scratch_operands = 0 : i64, tpu.core_type = #tpu.core_type<tc>} {
    %get3A = arith.constant 0 : index
    %get3A_0 = arith.constant 0 : index
    %get3A_1 = arith.constant 0 : index
    %get3A_2 = arith.constant 0 : index
    %get3A_3 = vector.load %arg0[%get3A, %get3A_0, %get3A_1, %get3A_2] : memref<4x3x8x128xf32, #tpu.memory_space<vmem>>, vector<4x1x8x128xf32>
    %get3A_4 = vector.shape_cast %get3A_3 : vector<4x1x8x128xf32> to vector<4x8x128xf32>
    %get3A_5 = arith.constant 0 : index
    %get3A_6 = arith.constant 1 : index
    %get3A_7 = arith.constant 0 : index
    %get3A_8 = arith.constant 0 : index
    %get3A_9 = vector.load %arg0[%get3A_5, %get3A_6, %get3A_7, %get3A_8] : memref<4x3x8x128xf32, #tpu.memory_space<vmem>>, vector<4x1x8x128xf32>
    %get3A_10 = vector.shape_cast %get3A_9 : vector<4x1x8x128xf32> to vector<4x8x128xf32>
    %get3A_11 = arith.constant 0 : index
    %get3A_12 = arith.constant 2 : index
    %get3A_13 = arith.constant 0 : index
    %get3A_14 = arith.constant 0 : index
    %get3A_15 = vector.load %arg0[%get3A_11, %get3A_12, %get3A_13, %get3A_14] : memref<4x3x8x128xf32, #tpu.memory_space<vmem>>, vector<4x1x8x128xf32>
    %get3A_16 = vector.shape_cast %get3A_15 : vector<4x1x8x128xf32> to vector<4x8x128xf32>
    %iota3A = tpu.iota {dimensions = array<i32: 1>} : vector<4x8x128xi32>
    %mul3A = arith.constant 128 : i32
    %mul3A_17 = vector.broadcast %mul3A : i32 to vector<4x8x128xi32>
    %mul3A_18 = arith.muli %iota3A, %mul3A_17 : vector<4x8x128xi32>
    %iota3A_19 = tpu.iota {dimensions = array<i32: 2>} : vector<4x8x128xi32>
    %add3A = arith.addi %mul3A_18, %iota3A_19 : vector<4x8x128xi32>
    %iota3A_20 = tpu.iota {dimensions = array<i32: 1>} : vector<4x256xi32>
    %broadcast_in_dim3A = arith.constant 1.000000e+10 : f32
    %broadcast_in_dim3A_21 = vector.broadcast %broadcast_in_dim3A : f32 to vector<4x8x128xf32>
    %broadcast_in_dim3A_22 = arith.constant 0 : i32
    %broadcast_in_dim3A_23 = vector.broadcast %broadcast_in_dim3A_22 : i32 to vector<4x1x1xi32>
    %broadcast_in_dim3A_24 = arith.constant 0 : i32
    %broadcast_in_dim3A_25 = vector.broadcast %broadcast_in_dim3A_24 : i32 to vector<4x256xi32>
    %scan3A = arith.constant 0 : i32
    %scan3A_26 = arith.constant 256 : i32
    %scan3A_27 = arith.addi %scan3A, %scan3A_26 : i32
    %scan3A_28 = arith.constant 1 : i32
    %scan3A_29:3 = scf.for %scan3A_33 = %scan3A to %scan3A_27 step %scan3A_28 iter_args(%scan3A_34 = %broadcast_in_dim3A_21, %scan3A_35 = %broadcast_in_dim3A_23, %scan3A_36 = %broadcast_in_dim3A_25) -> (vector<4x8x128xf32>, vector<4x1x1xi32>, vector<4x256xi32>)  : i32 {
      %eq3A = vector.broadcast %scan3A_33 : i32 to vector<4x256xi32>
      %eq3A_37 = arith.cmpi eq, %iota3A_20, %eq3A : vector<4x256xi32>
      %squeeze3A = vector.shape_cast %scan3A_35 : vector<4x1x1xi32> to vector<4x1xi32>
      %broadcast_in_dim3A_38 = vector.shape_cast %squeeze3A : vector<4x1xi32> to vector<4x1xi32>
      %broadcast_in_dim3A_39 = vector.broadcast %broadcast_in_dim3A_38 : vector<4x1xi32> to vector<4x256xi32>
      %select_n3A = arith.select %eq3A_37, %broadcast_in_dim3A_39, %scan3A_36 : vector<4x256xi1>, vector<4x256xi32>
      %eq3A_40 = vector.broadcast %scan3A_35 : vector<4x1x1xi32> to vector<4x8x128xi32>
      %eq3A_41 = arith.cmpi eq, %add3A, %eq3A_40 : vector<4x8x128xi32>
      %jit3A = arith.constant 0.000000e+00 : f32
      %broadcast_in_dim3A_42 = vector.broadcast %jit3A : f32 to vector<4x8x128xf32>
      %select_n3A_43 = arith.select %eq3A_41, %get3A_4, %broadcast_in_dim3A_42 : vector<4x8x128xi1>, vector<4x8x128xf32>
      %reduce_sum3A = arith.constant dense<0.000000e+00> : vector<4xf32>
      %reduce_sum3A_44 = vector.multi_reduction <add>, %select_n3A_43, %reduce_sum3A [1, 2] : vector<4x8x128xf32> to vector<4xf32>
      %broadcast_in_dim3A_45 = vector.shape_cast %reduce_sum3A_44 : vector<4xf32> to vector<4x1x1xf32>
      %jit3A_46 = arith.constant 0.000000e+00 : f32
      %broadcast_in_dim3A_47 = vector.broadcast %jit3A_46 : f32 to vector<4x8x128xf32>
      %select_n3A_48 = arith.select %eq3A_41, %get3A_10, %broadcast_in_dim3A_47 : vector<4x8x128xi1>, vector<4x8x128xf32>
      %reduce_sum3A_49 = arith.constant dense<0.000000e+00> : vector<4xf32>
      %reduce_sum3A_50 = vector.multi_reduction <add>, %select_n3A_48, %reduce_sum3A_49 [1, 2] : vector<4x8x128xf32> to vector<4xf32>
      %broadcast_in_dim3A_51 = vector.shape_cast %reduce_sum3A_50 : vector<4xf32> to vector<4x1x1xf32>
      %jit3A_52 = arith.constant 0.000000e+00 : f32
      %broadcast_in_dim3A_53 = vector.broadcast %jit3A_52 : f32 to vector<4x8x128xf32>
      %select_n3A_54 = arith.select %eq3A_41, %get3A_16, %broadcast_in_dim3A_53 : vector<4x8x128xi1>, vector<4x8x128xf32>
      %reduce_sum3A_55 = arith.constant dense<0.000000e+00> : vector<4xf32>
      %reduce_sum3A_56 = vector.multi_reduction <add>, %select_n3A_54, %reduce_sum3A_55 [1, 2] : vector<4x8x128xf32> to vector<4xf32>
      %broadcast_in_dim3A_57 = vector.shape_cast %reduce_sum3A_56 : vector<4xf32> to vector<4x1x1xf32>
      %sub3A = vector.broadcast %broadcast_in_dim3A_45 : vector<4x1x1xf32> to vector<4x8x128xf32>
      %sub3A_58 = arith.subf %get3A_4, %sub3A : vector<4x8x128xf32>
      %integer_pow3A = arith.mulf %sub3A_58, %sub3A_58 : vector<4x8x128xf32>
      %sub3A_59 = vector.broadcast %broadcast_in_dim3A_51 : vector<4x1x1xf32> to vector<4x8x128xf32>
      %sub3A_60 = arith.subf %get3A_10, %sub3A_59 : vector<4x8x128xf32>
      %integer_pow3A_61 = arith.mulf %sub3A_60, %sub3A_60 : vector<4x8x128xf32>
      %add3A_62 = arith.addf %integer_pow3A, %integer_pow3A_61 : vector<4x8x128xf32>
      %sub3A_63 = vector.broadcast %broadcast_in_dim3A_57 : vector<4x1x1xf32> to vector<4x8x128xf32>
      %sub3A_64 = arith.subf %get3A_16, %sub3A_63 : vector<4x8x128xf32>
      %integer_pow3A_65 = arith.mulf %sub3A_64, %sub3A_64 : vector<4x8x128xf32>
      %add3A_66 = arith.addf %add3A_62, %integer_pow3A_65 : vector<4x8x128xf32>
      %min3A = arith.minimumf %scan3A_34, %add3A_66 : vector<4x8x128xf32>
      %reduce_max3A = arith.constant dense<0xFF800000> : vector<4xf32>
      %reduce_max3A_67 = vector.multi_reduction <maximumf>, %min3A, %reduce_max3A [1, 2] : vector<4x8x128xf32> to vector<4xf32>
      %broadcast_in_dim3A_68 = vector.shape_cast %reduce_max3A_67 : vector<4xf32> to vector<4x1x1xf32>
      %eq3A_69 = vector.broadcast %broadcast_in_dim3A_68 : vector<4x1x1xf32> to vector<4x8x128xf32>
      %eq3A_70 = arith.cmpf oeq, %min3A, %eq3A_69 : vector<4x8x128xf32>
      %jit3A_71 = arith.constant 1024 : i32
      %broadcast_in_dim3A_72 = vector.broadcast %jit3A_71 : i32 to vector<4x8x128xi32>
      %select_n3A_73 = arith.select %eq3A_70, %add3A, %broadcast_in_dim3A_72 : vector<4x8x128xi1>, vector<4x8x128xi32>
      %reduce_min3A = arith.constant dense<2147483647> : vector<4xi32>
      %reduce_min3A_74 = vector.multi_reduction <minsi>, %select_n3A_73, %reduce_min3A [1, 2] : vector<4x8x128xi32> to vector<4xi32>
      %broadcast_in_dim3A_75 = vector.shape_cast %reduce_min3A_74 : vector<4xi32> to vector<4x1x1xi32>
      scf.yield %min3A, %broadcast_in_dim3A_75, %select_n3A : vector<4x8x128xf32>, vector<4x1x1xi32>, vector<4x256xi32>
    }
    %scan3A_30 = arith.constant 256 : i32
    %swap3A = arith.constant 0 : index
    %swap3A_31 = arith.constant 0 : index
    %swap3A_32 = vector.load %arg1[%swap3A, %swap3A_31] : memref<4x256xi32, #tpu.memory_space<vmem>>, vector<4x256xi32>
    tpu.vector_store %arg1[%swap3A, %swap3A_31], %scan3A_29#2 {strides = array<i32>} : memref<4x256xi32, #tpu.memory_space<vmem>>, vector<4x256xi32>,
    return
  }
}

module attributes {stable_mosaic.version = 14 : i64} {
  func.func @_fps_body(%arg0: memref<4x3x2x128xf32, #tpu.memory_space<vmem>>, %arg1: memref<4x64xi32, #tpu.memory_space<vmem>>) attributes {dimension_semantics = [], scalar_prefetch = 0 : i64, scratch_operands = 0 : i64, tpu.core_type = #tpu.core_type<tc>} {
    %get3A = arith.constant 0 : index
    %get3A_0 = arith.constant 0 : index
    %get3A_1 = arith.constant 0 : index
    %get3A_2 = arith.constant 0 : index
    %get3A_3 = vector.load %arg0[%get3A, %get3A_0, %get3A_1, %get3A_2] : memref<4x3x2x128xf32, #tpu.memory_space<vmem>>, vector<4x1x2x128xf32>
    %get3A_4 = vector.shape_cast %get3A_3 : vector<4x1x2x128xf32> to vector<4x2x128xf32>
    %get3A_5 = arith.constant 0 : index
    %get3A_6 = arith.constant 1 : index
    %get3A_7 = arith.constant 0 : index
    %get3A_8 = arith.constant 0 : index
    %get3A_9 = vector.load %arg0[%get3A_5, %get3A_6, %get3A_7, %get3A_8] : memref<4x3x2x128xf32, #tpu.memory_space<vmem>>, vector<4x1x2x128xf32>
    %get3A_10 = vector.shape_cast %get3A_9 : vector<4x1x2x128xf32> to vector<4x2x128xf32>
    %get3A_11 = arith.constant 0 : index
    %get3A_12 = arith.constant 2 : index
    %get3A_13 = arith.constant 0 : index
    %get3A_14 = arith.constant 0 : index
    %get3A_15 = vector.load %arg0[%get3A_11, %get3A_12, %get3A_13, %get3A_14] : memref<4x3x2x128xf32, #tpu.memory_space<vmem>>, vector<4x1x2x128xf32>
    %get3A_16 = vector.shape_cast %get3A_15 : vector<4x1x2x128xf32> to vector<4x2x128xf32>
    %iota3A = tpu.iota {dimensions = array<i32: 1>} : vector<4x2x128xi32>
    %mul3A = arith.constant 128 : i32
    %mul3A_17 = vector.broadcast %mul3A : i32 to vector<4x2x128xi32>
    %mul3A_18 = arith.muli %iota3A, %mul3A_17 : vector<4x2x128xi32>
    %iota3A_19 = tpu.iota {dimensions = array<i32: 2>} : vector<4x2x128xi32>
    %add3A = arith.addi %mul3A_18, %iota3A_19 : vector<4x2x128xi32>
    %iota3A_20 = tpu.iota {dimensions = array<i32: 1>} : vector<4x64xi32>
    %broadcast_in_dim3A = arith.constant 1.000000e+10 : f32
    %broadcast_in_dim3A_21 = vector.broadcast %broadcast_in_dim3A : f32 to vector<4x2x128xf32>
    %broadcast_in_dim3A_22 = arith.constant 0 : i32
    %broadcast_in_dim3A_23 = vector.broadcast %broadcast_in_dim3A_22 : i32 to vector<4x1x1xi32>
    %broadcast_in_dim3A_24 = arith.constant 0 : i32
    %broadcast_in_dim3A_25 = vector.broadcast %broadcast_in_dim3A_24 : i32 to vector<4x64xi32>
    %scan3A = arith.constant 0 : i32
    %scan3A_26 = arith.constant 64 : i32
    %scan3A_27 = arith.addi %scan3A, %scan3A_26 : i32
    %scan3A_28 = arith.constant 1 : i32
    %scan3A_29:3 = scf.for %scan3A_33 = %scan3A to %scan3A_27 step %scan3A_28 iter_args(%scan3A_34 = %broadcast_in_dim3A_21, %scan3A_35 = %broadcast_in_dim3A_23, %scan3A_36 = %broadcast_in_dim3A_25) -> (vector<4x2x128xf32>, vector<4x1x1xi32>, vector<4x64xi32>)  : i32 {
      %eq3A = vector.broadcast %scan3A_33 : i32 to vector<4x64xi32>
      %eq3A_37 = arith.cmpi eq, %iota3A_20, %eq3A : vector<4x64xi32>
      %squeeze3A = vector.shape_cast %scan3A_35 : vector<4x1x1xi32> to vector<4x1xi32>
      %broadcast_in_dim3A_38 = vector.shape_cast %squeeze3A : vector<4x1xi32> to vector<4x1xi32>
      %broadcast_in_dim3A_39 = vector.broadcast %broadcast_in_dim3A_38 : vector<4x1xi32> to vector<4x64xi32>
      %select_n3A = arith.select %eq3A_37, %broadcast_in_dim3A_39, %scan3A_36 : vector<4x64xi1>, vector<4x64xi32>
      %eq3A_40 = vector.broadcast %scan3A_35 : vector<4x1x1xi32> to vector<4x2x128xi32>
      %eq3A_41 = arith.cmpi eq, %add3A, %eq3A_40 : vector<4x2x128xi32>
      %jit3A = arith.constant 0.000000e+00 : f32
      %broadcast_in_dim3A_42 = vector.broadcast %jit3A : f32 to vector<4x2x128xf32>
      %select_n3A_43 = arith.select %eq3A_41, %get3A_4, %broadcast_in_dim3A_42 : vector<4x2x128xi1>, vector<4x2x128xf32>
      %reduce_sum3A = arith.constant dense<0.000000e+00> : vector<4xf32>
      %reduce_sum3A_44 = vector.multi_reduction <add>, %select_n3A_43, %reduce_sum3A [1, 2] : vector<4x2x128xf32> to vector<4xf32>
      %broadcast_in_dim3A_45 = vector.shape_cast %reduce_sum3A_44 : vector<4xf32> to vector<4x1x1xf32>
      %jit3A_46 = arith.constant 0.000000e+00 : f32
      %broadcast_in_dim3A_47 = vector.broadcast %jit3A_46 : f32 to vector<4x2x128xf32>
      %select_n3A_48 = arith.select %eq3A_41, %get3A_10, %broadcast_in_dim3A_47 : vector<4x2x128xi1>, vector<4x2x128xf32>
      %reduce_sum3A_49 = arith.constant dense<0.000000e+00> : vector<4xf32>
      %reduce_sum3A_50 = vector.multi_reduction <add>, %select_n3A_48, %reduce_sum3A_49 [1, 2] : vector<4x2x128xf32> to vector<4xf32>
      %broadcast_in_dim3A_51 = vector.shape_cast %reduce_sum3A_50 : vector<4xf32> to vector<4x1x1xf32>
      %jit3A_52 = arith.constant 0.000000e+00 : f32
      %broadcast_in_dim3A_53 = vector.broadcast %jit3A_52 : f32 to vector<4x2x128xf32>
      %select_n3A_54 = arith.select %eq3A_41, %get3A_16, %broadcast_in_dim3A_53 : vector<4x2x128xi1>, vector<4x2x128xf32>
      %reduce_sum3A_55 = arith.constant dense<0.000000e+00> : vector<4xf32>
      %reduce_sum3A_56 = vector.multi_reduction <add>, %select_n3A_54, %reduce_sum3A_55 [1, 2] : vector<4x2x128xf32> to vector<4xf32>
      %broadcast_in_dim3A_57 = vector.shape_cast %reduce_sum3A_56 : vector<4xf32> to vector<4x1x1xf32>
      %sub3A = vector.broadcast %broadcast_in_dim3A_45 : vector<4x1x1xf32> to vector<4x2x128xf32>
      %sub3A_58 = arith.subf %get3A_4, %sub3A : vector<4x2x128xf32>
      %integer_pow3A = arith.mulf %sub3A_58, %sub3A_58 : vector<4x2x128xf32>
      %sub3A_59 = vector.broadcast %broadcast_in_dim3A_51 : vector<4x1x1xf32> to vector<4x2x128xf32>
      %sub3A_60 = arith.subf %get3A_10, %sub3A_59 : vector<4x2x128xf32>
      %integer_pow3A_61 = arith.mulf %sub3A_60, %sub3A_60 : vector<4x2x128xf32>
      %add3A_62 = arith.addf %integer_pow3A, %integer_pow3A_61 : vector<4x2x128xf32>
      %sub3A_63 = vector.broadcast %broadcast_in_dim3A_57 : vector<4x1x1xf32> to vector<4x2x128xf32>
      %sub3A_64 = arith.subf %get3A_16, %sub3A_63 : vector<4x2x128xf32>
      %integer_pow3A_65 = arith.mulf %sub3A_64, %sub3A_64 : vector<4x2x128xf32>
      %add3A_66 = arith.addf %add3A_62, %integer_pow3A_65 : vector<4x2x128xf32>
      %min3A = arith.minimumf %scan3A_34, %add3A_66 : vector<4x2x128xf32>
      %reduce_max3A = arith.constant dense<0xFF800000> : vector<4xf32>
      %reduce_max3A_67 = vector.multi_reduction <maximumf>, %min3A, %reduce_max3A [1, 2] : vector<4x2x128xf32> to vector<4xf32>
      %broadcast_in_dim3A_68 = vector.shape_cast %reduce_max3A_67 : vector<4xf32> to vector<4x1x1xf32>
      %eq3A_69 = vector.broadcast %broadcast_in_dim3A_68 : vector<4x1x1xf32> to vector<4x2x128xf32>
      %eq3A_70 = arith.cmpf oeq, %min3A, %eq3A_69 : vector<4x2x128xf32>
      %jit3A_71 = arith.constant 256 : i32
      %broadcast_in_dim3A_72 = vector.broadcast %jit3A_71 : i32 to vector<4x2x128xi32>
      %select_n3A_73 = arith.select %eq3A_70, %add3A, %broadcast_in_dim3A_72 : vector<4x2x128xi1>, vector<4x2x128xi32>
      %reduce_min3A = arith.constant dense<2147483647> : vector<4xi32>
      %reduce_min3A_74 = vector.multi_reduction <minsi>, %select_n3A_73, %reduce_min3A [1, 2] : vector<4x2x128xi32> to vector<4xi32>
      %broadcast_in_dim3A_75 = vector.shape_cast %reduce_min3A_74 : vector<4xi32> to vector<4x1x1xi32>
      scf.yield %min3A, %broadcast_in_dim3A_75, %select_n3A : vector<4x2x128xf32>, vector<4x1x1xi32>, vector<4x64xi32>
    }
    %scan3A_30 = arith.constant 64 : i32
    %swap3A = arith.constant 0 : index
    %swap3A_31 = arith.constant 0 : index
    %swap3A_32 = vector.load %arg1[%swap3A, %swap3A_31] : memref<4x64xi32, #tpu.memory_space<vmem>>, vector<4x64xi32>
    tpu.vector_store %arg1[%swap3A, %swap3A_31], %scan3A_29#2 {strides = array<i32>} : memref<4x64xi32, #tpu.memory_space<vmem>>, vector<4x64xi32>,
    return
  }
}

module attributes {stable_mosaic.version = 14 : i64} {
  func.func @_bq_body(%arg0: i32, %arg1: i32, %arg2: memref<1x128x4096xi32, #tpu.memory_space<vmem>>, %arg3: memref<1x128x32xi32, #tpu.memory_space<vmem>>) attributes {dimension_semantics = [#tpu.dimension_semantics<arbitrary>, #tpu.dimension_semantics<arbitrary>], iteration_bounds = array<i64: 4, 8>, scalar_prefetch = 0 : i64, scratch_operands = 0 : i64, tpu.core_type = #tpu.core_type<tc>, window_params = [{transform_indices = @transform_0, window_bounds = array<i64: 1, 128, 4096>}, {transform_indices = @transform_1, window_bounds = array<i64: 1, 128, 32>}]} {
    %get3A = arith.constant 0 : index
    %get3A_0 = arith.constant 0 : index
    %get3A_1 = arith.constant 0 : index
    %get3A_2 = vector.load %arg2[%get3A, %get3A_0, %get3A_1] : memref<1x128x4096xi32, #tpu.memory_space<vmem>>, vector<1x128x4096xi32>
    %get3A_3 = vector.shape_cast %get3A_2 : vector<1x128x4096xi32> to vector<128x4096xi32>
    %iota3A = tpu.iota {dimensions = array<i32: 1>} : vector<128x32xi32>
    %broadcast_in_dim3A = arith.constant 0 : i32
    %broadcast_in_dim3A_4 = vector.broadcast %broadcast_in_dim3A : i32 to vector<128x32xi32>
    %scan3A = arith.constant 0 : i32
    %scan3A_5 = arith.constant 32 : i32
    %scan3A_6 = arith.addi %scan3A, %scan3A_5 : i32
    %scan3A_7 = arith.constant 1 : i32
    %scan3A_8:2 = scf.for %scan3A_19 = %scan3A to %scan3A_6 step %scan3A_7 iter_args(%scan3A_20 = %get3A_3, %scan3A_21 = %broadcast_in_dim3A_4) -> (vector<128x4096xi32>, vector<128x32xi32>)  : i32 {
      %reduce_min3A = arith.constant dense<2147483647> : vector<128xi32>
      %reduce_min3A_22 = vector.multi_reduction <minsi>, %scan3A_20, %reduce_min3A [1] : vector<128x4096xi32> to vector<128xi32>
      %broadcast_in_dim3A_23 = vector.shape_cast %reduce_min3A_22 : vector<128xi32> to vector<128x1xi32>
      %eq3A_24 = vector.broadcast %scan3A_19 : i32 to vector<128x32xi32>
      %eq3A_25 = arith.cmpi eq, %iota3A, %eq3A_24 : vector<128x32xi32>
      %broadcast_in_dim3A_26 = vector.shape_cast %broadcast_in_dim3A_23 : vector<128x1xi32> to vector<128x1xi32>
      %broadcast_in_dim3A_27 = vector.broadcast %broadcast_in_dim3A_26 : vector<128x1xi32> to vector<128x32xi32>
      %select_n3A_28 = arith.select %eq3A_25, %broadcast_in_dim3A_27, %scan3A_21 : vector<128x32xi1>, vector<128x32xi32>
      %eq3A_29 = vector.broadcast %broadcast_in_dim3A_23 : vector<128x1xi32> to vector<128x4096xi32>
      %eq3A_30 = arith.cmpi eq, %scan3A_20, %eq3A_29 : vector<128x4096xi32>
      %jit3A = arith.constant 4096 : i32
      %broadcast_in_dim3A_31 = vector.broadcast %jit3A : i32 to vector<128x4096xi32>
      %select_n3A_32 = arith.select %eq3A_30, %broadcast_in_dim3A_31, %scan3A_20 : vector<128x4096xi1>, vector<128x4096xi32>
      scf.yield %select_n3A_32, %select_n3A_28 : vector<128x4096xi32>, vector<128x32xi32>
    }
    %scan3A_9 = arith.constant 32 : i32
    %eq3A = arith.constant 4096 : i32
    %eq3A_10 = vector.broadcast %eq3A : i32 to vector<128x32xi32>
    %eq3A_11 = arith.cmpi eq, %scan3A_8#1, %eq3A_10 : vector<128x32xi32>
    %slice3A = vector.extract_strided_slice %scan3A_8#1 {offsets = [0, 0], sizes = [128, 1], strides = [1, 1]} : vector<128x32xi32> to vector<128x1xi32>
    %broadcast_in_dim3A_12 = vector.shape_cast %slice3A : vector<128x1xi32> to vector<128x1xi32>
    %broadcast_in_dim3A_13 = vector.broadcast %broadcast_in_dim3A_12 : vector<128x1xi32> to vector<128x32xi32>
    %select_n3A = arith.select %eq3A_11, %broadcast_in_dim3A_13, %scan3A_8#1 : vector<128x32xi1>, vector<128x32xi32>
    %swap3A = arith.constant 0 : index
    %swap3A_14 = arith.constant 0 : index
    %swap3A_15 = arith.constant 0 : index
    %swap3A_16 = vector.load %arg3[%swap3A, %swap3A_14, %swap3A_15] : memref<1x128x32xi32, #tpu.memory_space<vmem>>, vector<1x128x32xi32>
    %swap3A_17 = vector.shape_cast %swap3A_16 : vector<1x128x32xi32> to vector<128x32xi32>
    %swap3A_18 = vector.shape_cast %select_n3A : vector<128x32xi32> to vector<1x128x32xi32>
    tpu.vector_store %arg3[%swap3A, %swap3A_14, %swap3A_15], %swap3A_18 {strides = array<i32>} : memref<1x128x32xi32, #tpu.memory_space<vmem>>, vector<1x128x32xi32>,
    return
  }
  func.func @transform_0(%arg0: i32, %arg1: i32) -> (i32, i32, i32) {
    %c0_i32 = arith.constant 0 : i32
    %c0_i32_0 = arith.constant 0 : i32
    return %arg0, %arg1, %c0_i32 : i32, i32, i32
  }
  func.func @transform_1(%arg0: i32, %arg1: i32) -> (i32, i32, i32) {
    %c0_i32 = arith.constant 0 : i32
    %c0_i32_0 = arith.constant 0 : i32
    return %arg0, %arg1, %c0_i32 : i32, i32, i32
  }
}

module attributes {stable_mosaic.version = 14 : i64} {
  func.func @_bq_body(%arg0: i32, %arg1: i32, %arg2: memref<1x128x1024xi32, #tpu.memory_space<vmem>>, %arg3: memref<1x128x32xi32, #tpu.memory_space<vmem>>) attributes {dimension_semantics = [#tpu.dimension_semantics<arbitrary>, #tpu.dimension_semantics<arbitrary>], iteration_bounds = array<i64: 4, 2>, scalar_prefetch = 0 : i64, scratch_operands = 0 : i64, tpu.core_type = #tpu.core_type<tc>, window_params = [{transform_indices = @transform_0, window_bounds = array<i64: 1, 128, 1024>}, {transform_indices = @transform_1, window_bounds = array<i64: 1, 128, 32>}]} {
    %get3A = arith.constant 0 : index
    %get3A_0 = arith.constant 0 : index
    %get3A_1 = arith.constant 0 : index
    %get3A_2 = vector.load %arg2[%get3A, %get3A_0, %get3A_1] : memref<1x128x1024xi32, #tpu.memory_space<vmem>>, vector<1x128x1024xi32>
    %get3A_3 = vector.shape_cast %get3A_2 : vector<1x128x1024xi32> to vector<128x1024xi32>
    %iota3A = tpu.iota {dimensions = array<i32: 1>} : vector<128x32xi32>
    %broadcast_in_dim3A = arith.constant 0 : i32
    %broadcast_in_dim3A_4 = vector.broadcast %broadcast_in_dim3A : i32 to vector<128x32xi32>
    %scan3A = arith.constant 0 : i32
    %scan3A_5 = arith.constant 32 : i32
    %scan3A_6 = arith.addi %scan3A, %scan3A_5 : i32
    %scan3A_7 = arith.constant 1 : i32
    %scan3A_8:2 = scf.for %scan3A_19 = %scan3A to %scan3A_6 step %scan3A_7 iter_args(%scan3A_20 = %get3A_3, %scan3A_21 = %broadcast_in_dim3A_4) -> (vector<128x1024xi32>, vector<128x32xi32>)  : i32 {
      %reduce_min3A = arith.constant dense<2147483647> : vector<128xi32>
      %reduce_min3A_22 = vector.multi_reduction <minsi>, %scan3A_20, %reduce_min3A [1] : vector<128x1024xi32> to vector<128xi32>
      %broadcast_in_dim3A_23 = vector.shape_cast %reduce_min3A_22 : vector<128xi32> to vector<128x1xi32>
      %eq3A_24 = vector.broadcast %scan3A_19 : i32 to vector<128x32xi32>
      %eq3A_25 = arith.cmpi eq, %iota3A, %eq3A_24 : vector<128x32xi32>
      %broadcast_in_dim3A_26 = vector.shape_cast %broadcast_in_dim3A_23 : vector<128x1xi32> to vector<128x1xi32>
      %broadcast_in_dim3A_27 = vector.broadcast %broadcast_in_dim3A_26 : vector<128x1xi32> to vector<128x32xi32>
      %select_n3A_28 = arith.select %eq3A_25, %broadcast_in_dim3A_27, %scan3A_21 : vector<128x32xi1>, vector<128x32xi32>
      %eq3A_29 = vector.broadcast %broadcast_in_dim3A_23 : vector<128x1xi32> to vector<128x1024xi32>
      %eq3A_30 = arith.cmpi eq, %scan3A_20, %eq3A_29 : vector<128x1024xi32>
      %jit3A = arith.constant 1024 : i32
      %broadcast_in_dim3A_31 = vector.broadcast %jit3A : i32 to vector<128x1024xi32>
      %select_n3A_32 = arith.select %eq3A_30, %broadcast_in_dim3A_31, %scan3A_20 : vector<128x1024xi1>, vector<128x1024xi32>
      scf.yield %select_n3A_32, %select_n3A_28 : vector<128x1024xi32>, vector<128x32xi32>
    }
    %scan3A_9 = arith.constant 32 : i32
    %eq3A = arith.constant 1024 : i32
    %eq3A_10 = vector.broadcast %eq3A : i32 to vector<128x32xi32>
    %eq3A_11 = arith.cmpi eq, %scan3A_8#1, %eq3A_10 : vector<128x32xi32>
    %slice3A = vector.extract_strided_slice %scan3A_8#1 {offsets = [0, 0], sizes = [128, 1], strides = [1, 1]} : vector<128x32xi32> to vector<128x1xi32>
    %broadcast_in_dim3A_12 = vector.shape_cast %slice3A : vector<128x1xi32> to vector<128x1xi32>
    %broadcast_in_dim3A_13 = vector.broadcast %broadcast_in_dim3A_12 : vector<128x1xi32> to vector<128x32xi32>
    %select_n3A = arith.select %eq3A_11, %broadcast_in_dim3A_13, %scan3A_8#1 : vector<128x32xi1>, vector<128x32xi32>
    %swap3A = arith.constant 0 : index
    %swap3A_14 = arith.constant 0 : index
    %swap3A_15 = arith.constant 0 : index
    %swap3A_16 = vector.load %arg3[%swap3A, %swap3A_14, %swap3A_15] : memref<1x128x32xi32, #tpu.memory_space<vmem>>, vector<1x128x32xi32>
    %swap3A_17 = vector.shape_cast %swap3A_16 : vector<1x128x32xi32> to vector<128x32xi32>
    %swap3A_18 = vector.shape_cast %select_n3A : vector<128x32xi32> to vector<1x128x32xi32>
    tpu.vector_store %arg3[%swap3A, %swap3A_14, %swap3A_15], %swap3A_18 {strides = array<i32>} : memref<1x128x32xi32, #tpu.memory_space<vmem>>, vector<1x128x32xi32>,
    return
  }
  func.func @transform_0(%arg0: i32, %arg1: i32) -> (i32, i32, i32) {
    %c0_i32 = arith.constant 0 : i32
    %c0_i32_0 = arith.constant 0 : i32
    return %arg0, %arg1, %c0_i32 : i32, i32, i32
  }
  func.func @transform_1(%arg0: i32, %arg1: i32) -> (i32, i32, i32) {
    %c0_i32 = arith.constant 0 : i32
    %c0_i32_0 = arith.constant 0 : i32
    return %arg0, %arg1, %c0_i32 : i32, i32, i32
  }
}

module attributes {stable_mosaic.version = 14 : i64} {
  func.func @_bq_body(%arg0: i32, %arg1: i32, %arg2: memref<1x64x256xi32, #tpu.memory_space<vmem>>, %arg3: memref<1x64x32xi32, #tpu.memory_space<vmem>>) attributes {dimension_semantics = [#tpu.dimension_semantics<arbitrary>, #tpu.dimension_semantics<arbitrary>], iteration_bounds = array<i64: 4, 1>, scalar_prefetch = 0 : i64, scratch_operands = 0 : i64, tpu.core_type = #tpu.core_type<tc>, window_params = [{transform_indices = @transform_0, window_bounds = array<i64: 1, 64, 256>}, {transform_indices = @transform_1, window_bounds = array<i64: 1, 64, 32>}]} {
    %get3A = arith.constant 0 : index
    %get3A_0 = arith.constant 0 : index
    %get3A_1 = arith.constant 0 : index
    %get3A_2 = vector.load %arg2[%get3A, %get3A_0, %get3A_1] : memref<1x64x256xi32, #tpu.memory_space<vmem>>, vector<1x64x256xi32>
    %get3A_3 = vector.shape_cast %get3A_2 : vector<1x64x256xi32> to vector<64x256xi32>
    %iota3A = tpu.iota {dimensions = array<i32: 1>} : vector<64x32xi32>
    %broadcast_in_dim3A = arith.constant 0 : i32
    %broadcast_in_dim3A_4 = vector.broadcast %broadcast_in_dim3A : i32 to vector<64x32xi32>
    %scan3A = arith.constant 0 : i32
    %scan3A_5 = arith.constant 32 : i32
    %scan3A_6 = arith.addi %scan3A, %scan3A_5 : i32
    %scan3A_7 = arith.constant 1 : i32
    %scan3A_8:2 = scf.for %scan3A_19 = %scan3A to %scan3A_6 step %scan3A_7 iter_args(%scan3A_20 = %get3A_3, %scan3A_21 = %broadcast_in_dim3A_4) -> (vector<64x256xi32>, vector<64x32xi32>)  : i32 {
      %reduce_min3A = arith.constant dense<2147483647> : vector<64xi32>
      %reduce_min3A_22 = vector.multi_reduction <minsi>, %scan3A_20, %reduce_min3A [1] : vector<64x256xi32> to vector<64xi32>
      %broadcast_in_dim3A_23 = vector.shape_cast %reduce_min3A_22 : vector<64xi32> to vector<64x1xi32>
      %eq3A_24 = vector.broadcast %scan3A_19 : i32 to vector<64x32xi32>
      %eq3A_25 = arith.cmpi eq, %iota3A, %eq3A_24 : vector<64x32xi32>
      %broadcast_in_dim3A_26 = vector.shape_cast %broadcast_in_dim3A_23 : vector<64x1xi32> to vector<64x1xi32>
      %broadcast_in_dim3A_27 = vector.broadcast %broadcast_in_dim3A_26 : vector<64x1xi32> to vector<64x32xi32>
      %select_n3A_28 = arith.select %eq3A_25, %broadcast_in_dim3A_27, %scan3A_21 : vector<64x32xi1>, vector<64x32xi32>
      %eq3A_29 = vector.broadcast %broadcast_in_dim3A_23 : vector<64x1xi32> to vector<64x256xi32>
      %eq3A_30 = arith.cmpi eq, %scan3A_20, %eq3A_29 : vector<64x256xi32>
      %jit3A = arith.constant 256 : i32
      %broadcast_in_dim3A_31 = vector.broadcast %jit3A : i32 to vector<64x256xi32>
      %select_n3A_32 = arith.select %eq3A_30, %broadcast_in_dim3A_31, %scan3A_20 : vector<64x256xi1>, vector<64x256xi32>
      scf.yield %select_n3A_32, %select_n3A_28 : vector<64x256xi32>, vector<64x32xi32>
    }
    %scan3A_9 = arith.constant 32 : i32
    %eq3A = arith.constant 256 : i32
    %eq3A_10 = vector.broadcast %eq3A : i32 to vector<64x32xi32>
    %eq3A_11 = arith.cmpi eq, %scan3A_8#1, %eq3A_10 : vector<64x32xi32>
    %slice3A = vector.extract_strided_slice %scan3A_8#1 {offsets = [0, 0], sizes = [64, 1], strides = [1, 1]} : vector<64x32xi32> to vector<64x1xi32>
    %broadcast_in_dim3A_12 = vector.shape_cast %slice3A : vector<64x1xi32> to vector<64x1xi32>
    %broadcast_in_dim3A_13 = vector.broadcast %broadcast_in_dim3A_12 : vector<64x1xi32> to vector<64x32xi32>
    %select_n3A = arith.select %eq3A_11, %broadcast_in_dim3A_13, %scan3A_8#1 : vector<64x32xi1>, vector<64x32xi32>
    %swap3A = arith.constant 0 : index
    %swap3A_14 = arith.constant 0 : index
    %swap3A_15 = arith.constant 0 : index
    %swap3A_16 = vector.load %arg3[%swap3A, %swap3A_14, %swap3A_15] : memref<1x64x32xi32, #tpu.memory_space<vmem>>, vector<1x64x32xi32>
    %swap3A_17 = vector.shape_cast %swap3A_16 : vector<1x64x32xi32> to vector<64x32xi32>
    %swap3A_18 = vector.shape_cast %select_n3A : vector<64x32xi32> to vector<1x64x32xi32>
    tpu.vector_store %arg3[%swap3A, %swap3A_14, %swap3A_15], %swap3A_18 {strides = array<i32>} : memref<1x64x32xi32, #tpu.memory_space<vmem>>, vector<1x64x32xi32>,
    return
  }
  func.func @transform_0(%arg0: i32, %arg1: i32) -> (i32, i32, i32) {
    %c0_i32 = arith.constant 0 : i32
    %c0_i32_0 = arith.constant 0 : i32
    return %arg0, %arg1, %c0_i32 : i32, i32, i32
  }
  func.func @transform_1(%arg0: i32, %arg1: i32) -> (i32, i32, i32) {
    %c0_i32 = arith.constant 0 : i32
    %c0_i32_0 = arith.constant 0 : i32
    return %arg0, %arg1, %c0_i32 : i32, i32, i32
  }
}

</mosaic_0001>

<sc_bundles>
// kernel: gather_offload_async_start
scs
__scs_entry_jumppad:
0x0: {  	(pc) =	sbr.rel $0x88, $3  }
0x1: {  	(tag) =	ssettag $0x0;
	lr =	simm.s32 $0x1  }
0x2: {  	[smem:$0x3F46] =	sst lr;
	_ =	strace $0xD0000000  }
0x3: {  	_ = 	snop  }
0x4: {  	_ = 	snop  }
0x5: {  	_ = 	snop  }
0x6: {  	_ = 	snop  }
0x7: {  	_ = 	snop  }
__scs_overlays_trampoline_lowered:
0x8: {  	[smem:$0x3F55] =	sst s0  }
0x9: {  	[smem:$0x3F56] =	sst s1  }
0xa: {  	[smem:$0x3F57] =	sst s2  }
0xb: {  	[smem:$0x3F58] =	sst s3  }
0xc: {  	[smem:$0x3F59] =	sst s4  }
0xd: {  	[smem:$0x3F5A] =	sst s5  }
0xe: {  	[smem:$0x3F5B] =	sst s6  }
0xf: {  	[smem:$0x3F5C] =	sst s7  }
0x10: {  	[smem:$0x3F5D] =	sst s8  }
0x11: {  	[smem:$0x3F5E] =	sst s9;
	s0 =	simm.s32 @!p0 $0x0  }
0x12: {  	s1 =	sld [smem:$0x3F44];
	s0 =	simm.s32 @p0 $0x1  }
0x13: {  	[smem:$0x3F5F] =	sst s0;
	s0 =	simm.s32 @!p1 $0x0  }
0x14: {  	s2 =	sld [smem:$0x3F43];
	s0 =	simm.s32 @p1 $0x1  }
0x15: {  	[smem:$0x3F60] =	sst s0;
	s0 =	simm.s32 @!p2 $0x0  }
0x16: {  	s3 =	sld [smem:$0x3FDB];
	s0 =	simm.s32 @p2 $0x1  }
0x17: {  	s4 =	simm.s32 $0x1BF5;
	[smem:$0x3F62] =	sst s0  }
0x18: {  	s0 =	sld [smem:$0x3F45];
	_ =	swait.ge [sflag:s4], $0x0  }
0x19: {  	s7 =	sld [smem:$0x3F46]  }
0x1a: {  	s8 =	sadd.s32 $0xFFFFE003, lr  }
0x1b: {  	s9 =	sadd.s32 $0xFFFFFEF7, lr;
	s5 =	simm.s32 $0xFFFFFFFF;
	p2 =	slt.u32 s8, $0xFFFFF086  }
0x1c: {  	p1 =	slt.u32 s9, $0xF7A;
	s5 =	simm.s32 @!p2 $0x0  }
0x1d: {  	s5 =	simm.s32 @p1 $0x1;
	p0 =	seq.s32 s7, s2  }
0x1e: {  	s7 =	smul.u32 @!p0 $0xF7A, s2;
	p2 =	seq.s32 @!p0 s5, $0x0  }
0x1f: {  	s9 =	smul.u32 $0xF7A, s1;
	s8 =	simm.s32 @!p0 $0x1BF5;
	p2 =	por !p2, p0  }
0x20: {  	[sflag:s8] =	ssyncset.s32 @!p0 $0xFFFFF086;
	s6 =	sadd.s32 @!p0 s3, s7;
	s7 =	simm.s32 @!p0 $0x108  }
0x21: {  	s3 =	sadd.s32 s3, s9;
	s6 =	sadd.s32 @!p0 $0x88, s6;
	s7 =	simm.s32 @p2 $0x1082  }
0x22: {  	[simem:s7], [sflag:s8] =	dma.local @!p0 [hbm:s6], $0xF7A  }
0x23: {  	s9 =	sor.u32 $0xD0000000, s2;
	s6 =	simm.s32 $0x108;
	_ =	swait.ge @!p0 [sflag:s8], $0x0  }
0x24: {  	s3 =	sadd.s32 $0x88, s3;
	s6 =	simm.s32 @!p1 $0x1082;
	[sflag:s4] =	ssyncset.s32 $0xFFFFF086  }
0x25: {  	[simem:s6], [sflag:s4] =	dma.local [hbm:s3], $0xF7A  }
0x26: {  	[smem:$0x3F46] =	sst s1;
	(tag) =	ssettag s2;
	_ =	strace s9  }
0x27: {  	s1 =	sld [smem:$0x3F56]  }
0x28: {  	s2 =	sld [smem:$0x3F57]  }
0x29: {  	s4 =	sld [smem:$0x3F59]  }
0x2a: {  	p0 =	seq.s32 s5, $0x0;
	s5 =	sld [smem:$0x3F5A]  }
0x2b: {  	s6 =	sld [smem:$0x3F5B]  }
0x2c: {  	s7 =	sld [smem:$0x3F5C]  }
0x2d: {  	s3 =	simm.s32 $0x108;
	s8 =	sld [smem:$0x3F5D]  }
0x2e: {  	s3 =	simm.s32 @!p0 $0x1082;
	s9 =	sld [smem:$0x3F5E]  }
0x2f: {  	lr =	sadd.s32 s0, s3;
	s0 =	sld [smem:$0x3F55]  }
0x30: {  	s3 =	sld [smem:$0x3F58]  }
0x31: {  	[smem:$0x3F61] =	sst s10  }
0x32: {  	s10 =	sld [smem:$0x3F5F];
	_ =	sdelay $0x3  }
0x33: {  	p0 =	seq.s32 s10, $0x1;
	s10 =	sld [smem:$0x3F61];
	_ =	sdelay $0x3  }
0x34: {  	[smem:$0x3F61] =	sst s10  }
0x35: {  	s10 =	sld [smem:$0x3F60];
	_ =	sdelay $0x3  }
0x36: {  	p1 =	seq.s32 s10, $0x1;
	s10 =	sld [smem:$0x3F61];
	_ =	sdelay $0x3  }
0x37: {  	[smem:$0x3F61] =	sst s10  }
0x38: {  	s10 =	sld [smem:$0x3F62]  }
0x39: {  	_ = 	snop;
	(pc) =	sbr.ind lr, $3  }
0x3a: {  	_ = 	snop  }
0x3b: {  	_ = 	snop  }
0x3c: {  	p2 =	seq.s32 s10, $0x1;
	s10 =	sld [smem:$0x3F61]  }
0x3d: {  	_ =	shalt  }
0x3e: {  	_ =	shalt  }
0x3f: {  	_ =	shalt  }
0x40: {  	_ =	shalt  }
0x41: {  	_ =	shalt  }
0x42: {  	_ =	shalt  }
0x43: {  	_ =	shalt  }
0x44: {  	_ =	shalt  }
0x45: {  	_ =	shalt  }
0x46: {  	_ =	shalt  }
0x47: {  	_ =	shalt  }
0x48: {  	_ =	shalt  }
0x49: {  	_ =	shalt  }
0x4a: {  	_ =	shalt  }
0x4b: {  	_ =	shalt  }
0x4c: {  	_ =	shalt  }
0x4d: {  	_ =	shalt  }
0x4e: {  	_ =	shalt  }
0x4f: {  	_ =	shalt  }
0x50: {  	_ =	shalt  }
0x51: {  	_ =	shalt  }
0x52: {  	_ =	shalt  }
0x53: {  	_ =	shalt  }
0x54: {  	_ =	shalt  }
0x55: {  	_ =	shalt  }
0x56: {  	_ =	shalt  }
0x57: {  	_ =	shalt  }
0x58: {  	_ =	shalt  }
0x59: {  	_ =	shalt  }
0x5a: {  	_ =	shalt  }
0x5b: {  	_ =	shalt  }
0x5c: {  	_ =	shalt  }
0x5d: {  	_ =	shalt  }
0x5e: {  	_ =	shalt  }
0x5f: {  	_ =	shalt  }
0x60: {  	_ =	shalt  }
0x61: {  	_ =	shalt  }
0x62: {  	_ =	shalt  }
0x63: {  	_ =	shalt  }
0x64: {  	_ =	shalt  }
0x65: {  	_ =	shalt  }
0x66: {  	_ =	shalt  }
0x67: {  	_ =	shalt  }
0x68: {  	_ =	shalt  }
0x69: {  	_ =	shalt  }
0x6a: {  	_ =	shalt  }
0x6b: {  	_ =	shalt  }
0x6c: {  	_ =	shalt  }
0x6d: {  	_ =	shalt  }
0x6e: {  	_ =	shalt  }
0x6f: {  	_ =	shalt  }
0x70: {  	_ =	shalt  }
0x71: {  	_ =	shalt  }
0x72: {  	_ =	shalt  }
0x73: {  	_ =	shalt  }
0x74: {  	_ =	shalt  }
0x75: {  	_ =	shalt  }
0x76: {  	_ =	shalt  }
0x77: {  	_ =	shalt  }
0x78: {  	_ =	shalt  }
0x79: {  	_ =	shalt  }
0x7a: {  	_ =	shalt  }
0x7b: {  	_ =	shalt  }
0x7c: {  	_ =	shalt  }
0x7d: {  	_ =	shalt  }
0x7e: {  	_ =	shalt  }
0x7f: {  	_ =	shalt  }
0x80: {  	_ =	shalt  }
0x81: {  	_ =	shalt  }
0x82: {  	_ =	shalt  }
0x83: {  	_ =	shalt  }
0x84: {  	_ =	shalt  }
0x85: {  	_ =	shalt  }
0x86: {  	_ =	shalt  }
0x87: {  	_ =	shalt  }
.Lfunc_end0:
.L_simem_size_0:
called_computation_lowered:
.L_overlay_start_0:
0x88: {  	s2 =	sld [smem:$0x3FD9]  }
0x89: {  	s3 =	sld [smem:$0x3FFE];
	_ =	sdelay $0x1  }
0x8a: {  	s1 =	srdreg.scid  }
0x8b: {  	s0 =	sand.u32 $0x1, s1  }
0x8c: {  	s17 =	sshll.u32 s0, $0xA;
	s2 =	sadd.s32 s3, s2  }
0x8d: {  	s2 =	sadd.s32 s2, s17  }
0x8e: {  	[smem:$0x3F6D] =	sst s2  }
0x8f: {  	_ = 	snop  }
0x90: {  	s2 =	sld [smem:$0x3FD0];
	(tm) =	ssettm $0x1  }
0x91: {  	s18 =	sld [smem:$0x3FFB];
	_ =	sdelay $0x3  }
0x92: {  	_ =	strace s18  }
0x93: {  	s3 =	sld [smem:$0x3FFC];
	_ =	sdelay $0x3  }
0x94: {  	_ =	strace s3  }
0x95: {  	s3 =	sld [smem:$0x3FFD];
	_ =	sdelay $0x3  }
0x96: {  	_ =	strace s3  }
0x97: {  	_ =	strace $0x8FFFFFFF  }
0x98: {  	s19 =	sld [smem:$0x3FDB];
	_ =	sdelay $0x1  }
0x99: {  	s4 =	simm.s32 $_scs_section_size  }
0x9a: {  	s5 =	simm.s32 $_size__tile_overlayer_lowered;
	s6 =	simm.s32 $_tile_overlayer_lowered  }
0x9b: {  	s22 =	simm.s32 $0x1BFF;
	s21 =	sshll.u32 s6, $0x1;
	s3 =	sadd.s32 s4, s19  }
0x9c: {  	s7 =	simm.s32 $0x0;
	s20 =	sshll.u32 s5, $0x1;
	s5 =	sadd.s32 s21, s3  }
0x9d: {  	[timem:s7], [sflag:s22] =	dma.local [hbm:s5], s20  }
0x9e: {  	_ =	swait.ge [sflag:s22], s20  }
0x9f: {  	s4 =	ssub.s32 $0x0, s20;
	[sflag:s22] =	ssyncset.done $0x0  }
0xa0: {  	[sflag:s22] =	ssyncadd.s32 s4;
	_ =	sdelay $0x1  }
0xa1: {  	s23 =	simm.s32 $0x1B8B  }
0xa2: {  	_ =	swait.ge [sflag:s23], $0x1  }
0xa3: {  	[sflag:s23] =	ssyncset.done $0x0  }
0xa4: {  	s25 =	simm.s32 $0x1B8E;
	s24 =	sld [smem:$0x3FFE];
	[sflag:s23] =	ssyncadd.s32 $0xFFFFFFFF  }
0xa5: {  	s26 =	simm.s32 $execute0_lowered;
	[smem:$0x3FD2] =	sst s25  }
0xa6: {  	s5 =	sshll.u32 s26, $0x1;
	_ =	strace $0x80000046;
	[dreg:$0x1] =	wrdreg $0xFFFFFFFF  }
0xa7: {  	s28 =	simm.s32 $_size_execute0_lowered;
	s3 =	sadd.s32 s3, s5;
	[dreg:$0x0] =	wrdreg $0x0  }
0xa8: {  	s5 =	sshll.u32 s28, $0x1;
	[dreg:$0x2] =	wrdreg s3  }
0xa9: {  	[dreg:$0x3] =	wrdreg s5  }
0xaa: {  	[dreg:$0x4] =	wrdreg $0xC0  }
0xab: {  	_ =	task [dreg:s7], $0x5FFFF  }
0xac: {  	[dreg:$0x1] =	wrdreg $0xFFFFFFFF  }
0xad: {  	[dreg:$0x0] =	wrdreg $0x60  }
0xae: {  	[dreg:$0x2] =	wrdreg s24  }
0xaf: {  	[dreg:$0x3] =	wrdreg s2  }
0xb0: {  	[dreg:$0x4] =	wrdreg $0x9  }
0xb1: {  	_ =	task.clear_ibuf [dreg:s7], $0x5FFFF;
	_ =	strace $0x90000046  }
0xb2: {  	s29 =	simm.s32 $0x9;
	_ =	strace $0x80000048  }
0xb3: {  	_ =	swait.ge [sflag:s29], $0x1  }
0xb4: {  	[sflag:s29] =	ssyncadd.s32 $0xFFFFFFFF  }
0xb5: {  	_ =	strace $0x90000048  }
0xb6: {  	_ =	sfence  }
0xb7: {  	s30 =	sld [smem:$0x0];
	_ =	sdelay $0x2  }
0xb8: {  	s31 =	sshll.u32 s1, $0xD;
	s1 =	sshrl.u32 s1, $0x2  }
0xb9: {  	s3 =	sand.u32 $0x4000, s31;
	s1 =	sadd.s32 s1, s30  }
0xba: {  	s0 =	sor.u32 s3, s0;
	s1 =	sshll.u32 s1, $0x11  }
0xbb: {  	s0 =	sor.u32 s1, s0  }
0xbc: {  	s0 =	sadd.s32 $0x8F2B, s0  }
0xbd: {  	[sflag:s0] =	ssyncadd.remote.s32 $0x1  }
0xbe: {  	_ =	sfence.sel $0xFFFF  }
0xbf: {  	[dreg:$0x0] =	wrdreg $0xFFFFFFFF;
	(pc) =	sbr.abs _section_cstart, $3  }
0xc0: {  	[dreg:$0x1] =	wrdreg $0xFFFFFFFF  }
0xc1: {  	_ =	task.clear_ibuf [dreg:s7], $0x2FFFF;
	_ =	strace $0x9FFFFFFF  }
0xc2: {  	(tm) =	ssettm $0x7FFFFFFF  }
0xc3: {  	_ =	shalt  }
tec
execute0_lowered:
.L_overlay_start_1:
0x0: {  	(tag) =	ssettag $0x1  }
0x1: {  	s7 =	rddreg [dreg:$0x0]  }
0x2: {  	s2 =	rddreg [dreg:$0x1]  }
0x3: {  	s0 =	rddreg [dreg:$0x2]  }
0x4: {  	s1 =	srdreg.scid;
	_ =	strace $0x80000047;
	s4 =	simm.s32 $0x1  }
0x5: {  	s9 =	simm.s32 $0x3;
	s12 =	simm.s32 $0x0;
	s5 =	sshll.u32 s1, $0x4  }
.Ltmp0:
0x6: {  	s1 =	stileid.u32;
	s5 =	sand.u32 $0x10, s5;
	(pc) =	sbr.rel .LBB2_1-.Ltmp0, $4  }
0x7: {  	s10 =	simm.s32 $0x0;
	s3 =	sadd.s32 $0x4800, s7;
	s6 =	sor.u32 s1, s5  }
0x8: {  	[sflag:s4] =	ssyncpa.u1 $0x0;
	s5 =	simm.s32 $0x2;
	s6 =	sshll.u32 s6, $0x7  }
0x9: {  	s7 =	sadd.s32 $0x44800, s7;
	[sflag:s5] =	ssyncpa.u1 $0x0;
	s8 =	sadd.s32 $0x80, s6  }
0xa: {  	vm0 =	vmmov $0xff;
	vm1 =	vcmask $0x3F20;
	[sflag:s9] =	ssyncpa.u1 $0x0;
	s9 =	simm.s32 $0x80;
	s11 =	smov.u32 s6  }
.LBB2_9:
0xb: {  	p0 =	seq.s32 s10, $0x2  }
.Ltmp1:
0xc: {  	_ = 	snop;
	(pc) =	sbr.rel @p0 .LBB2_11-.Ltmp1, $1  }
0xd: {  	_ =	sdelay $0x3  }
.LBB2_10:
0xe: {  	s12 =	sadd.s32 $0x80, s11  }
0xf: {  	s13 =	smov.u32 s6;
	p0 =	slt.s32 s12, s8  }
0x10: {  	s13 =	smov.u32 @p0 s12  }
0x11: {  	s10 =	sadd.s32 $0x1, s10;
	s12 =	smov.u32 s11;
	s11 =	smov.u32 s13  }
.LBB2_1:
0x12: {  	p0 =	sne.s32 s10, $0x0  }
.Ltmp2:
0x13: {  	_ = 	snop;
	(pc) =	sbr.rel @!p0 .LBB2_2-.Ltmp2, $1  }
0x14: {  	_ =	sdelay $0x3  }
0x15: {  	s13 =	sand.u32 $0x1, s10  }
0x16: {  	p0 =	seq.s32 s13, $0x0  }
.Ltmp3:
0x17: {  	_ = 	snop;
	(pc) =	sbr.rel @p0 .LBB2_9-.Ltmp3, $1  }
0x18: {  	_ =	sdelay $0x3  }
0x19: {  	_ =	swait.ge [sflag:s5], $0x80  }
0x1a: {  	[sflag:s5] =	ssyncset.done $0x0  }
0x1b: {  	s13 =	simm.s32 $0x0;
	[sflag:s5] =	ssyncadd.s32 $0xFFFFFF80  }
0x1c: {  	v0 =	vld.msk [tilespmem:s13+$0x80 ss:$0x1], $0xffff;
	_ =	sdelay $0x4  }
0x1d: {  	v1 =	vshll.u32 v0, $0x5  }
0x1e: {  	vm2 =	veq.s32 v0, $0x80000000;
	v0 =	vshll.u32 v0, $0x13;
	v1 =	vand.u32 $0x7FF80, v1  }
0x1f: {  	v0 =	vand.u32 $0x180000, v0;
	v1 =	vsel vm2, $0xFFFFFF80, v1  }
0x20: {  	v0 =	vsel vm2, $0xFFF80000, v0;
	v2 =	vand.u32 $0xFFFFFC00, v1  }
0x21: {  	v1 =	vand.u32 $0x380, v1;
	v0 =	vadd.s32 v0, v2  }
0x22: {  	v0 =	vor.u32 v1, v0  }
0x23: {  	v0 =	vshrl.u32 v0, $0x3;
	_ =	sdelay $0x3  }
0x24: {  	s13 =	simm.s32 $0x4100  }
0x25: {  	[tilespmem:s13], [sflag:$0x1] =	stream.indirect_vreg.gather [hbm:s3], $0x80, v0, vm0, $0x38;
	[tilespmem:$0x8100] =	vst v63  }
0x26: {  	s14 =	simm.s32 $0x4500;
	s31 =	simm.s32 $0x10  }
0x27: {  	[tilespmem:s14], [sflag:$0x1] =	stream.indirect_vreg.gather [hbm:s3], $0x80, v0, vm1, $0x38;
	[tilespmem:$0x8100] =	vst v63  }
0x28: {  	s14 =	simm.s32 $0x80;
	v0 =	vld.msk [tilespmem:s31+$0x80 ss:$0x1], $0xffff  }
.LBB2_5:
0x29: {  	p0 =	sne.s32 s14, $0x1C0;
	_ =	sdelay $0x4  }
0x2a: {  	v1 =	vshll.u32 v0, $0x5  }
0x2b: {  	vm2 =	veq.s32 v0, $0x80000000;
	v0 =	vshll.u32 v0, $0x13;
	v1 =	vand.u32 $0x7FF80, v1  }
0x2c: {  	v0 =	vand.u32 $0x180000, v0;
	v1 =	vsel vm2, $0xFFFFFF80, v1  }
0x2d: {  	v0 =	vsel vm2, $0xFFF80000, v0;
	v2 =	vand.u32 $0xFFFFFC00, v1  }
0x2e: {  	v1 =	vand.u32 $0x380, v1;
	v0 =	vadd.s32 v0, v2  }
0x2f: {  	v0 =	vor.u32 v1, v0  }
0x30: {  	v0 =	vshrl.u32 v0, $0x3;
	_ =	sdelay $0x3  }
.Ltmp4:
0x31: {  	s13 =	sadd.s32 $0x800, s13;
	(pc) =	sbr.rel @p0 .LBB2_5-.Ltmp4, $4  }
0x32: {  	[tilespmem:s13], [sflag:$0x1] =	stream.indirect_vreg.gather [hbm:s3], $0x80, v0, vm0, $0x38;
	[tilespmem:$0x8100] =	vst v63  }
0x33: {  	s15 =	sshra.s32 s14, $0x2;
	s16 =	sadd.s32 $0x400, s13  }
0x34: {  	[tilespmem:s16], [sflag:$0x1] =	stream.indirect_vreg.gather [hbm:s3], $0x80, v0, vm1, $0x38;
	[tilespmem:$0x8100] =	vst v63  }
0x35: {  	s14 =	sadd.s32 $0x40, s14;
	v0 =	vld.msk [tilespmem:s15+$0x80 ss:$0x1], $0xffff  }
0x36: {  	_ =	sdelay $0x3  }
0x37: {  	v1 =	vshll.u32 v0, $0x5  }
0x38: {  	vm2 =	veq.s32 v0, $0x80000000;
	v63 =	vshll.u32 v0, $0x13;
	v1 =	vand.u32 $0x7FF80, v1  }
0x39: {  	v0 =	vand.u32 $0x180000, v63;
	v1 =	vsel vm2, $0xFFFFFF80, v1  }
0x3a: {  	v0 =	vsel vm2, $0xFFF80000, v0;
	v2 =	vand.u32 $0xFFFFFC00, v1  }
0x3b: {  	v1 =	vand.u32 $0x380, v1;
	v0 =	vadd.s32 v0, v2  }
0x3c: {  	v0 =	vor.u32 v1, v0  }
0x3d: {  	v0 =	vshrl.u32 v0, $0x3;
	_ =	sdelay $0x3  }
0x3e: {  	s13 =	sadd.s32 $0x800, s13  }
0x3f: {  	[tilespmem:s13], [sflag:$0x1] =	stream.indirect_vreg.gather [hbm:s3], $0x80, v0, vm0, $0x38;
	[tilespmem:$0x8100] =	vst v63  }
0x40: {  	s13 =	sadd.s32 $0x400, s13  }
0x41: {  	[tilespmem:s13], [sflag:$0x1] =	stream.indirect_vreg.gather [hbm:s3], $0x80, v0, vm1, $0x38;
	[tilespmem:$0x8100] =	vst v63  }
0x42: {  	s12 =	sshll.u32 s12, $0x4;
	s14 =	simm.s32 $0x80;
	_ =	swait.ge [sflag:s4], $0x4000  }
0x43: {  	s15 =	simm.s32 $0x4500;
	s12 =	sadd.s32 s12, s7;
	[sflag:s4] =	ssyncset.done $0x0  }
0x44: {  	s16 =	sadd.s32 $0x0, s12;
	s13 =	simm.s32 $0x4100;
	[sflag:s4] =	ssyncadd.s32 $0xFFFFC000  }
.LBB2_7:
0x45: {  	[hbm:s16] =	stream.linear.scatter [tilespmem:s13], [sflag:$0x3], $0x400, $0x38;
	[tilespmem:$0x8100] =	vst v63  }
0x46: {  	s16 =	smov.u32 s14;
	s13 =	smov.u32 s15;
	p0 =	sne.s32 s14, $0x780  }
.Ltmp5:
0x47: {  	s14 =	sadd.s32 $0x80, s14;
	(pc) =	sbr.rel @p0 .LBB2_7-.Ltmp5, $2  }
0x48: {  	_ =	sdelay $0x2  }
0x49: {  	s15 =	sadd.s32 $0x400, s15;
	s16 =	sadd.s32 s16, s12  }
.Ltmp6:
0x4a: {  	(pc) =	sbr.rel .LBB2_9-.Ltmp6, $2  }
0x4b: {  	_ =	sdelay $0x2  }
0x4c: {  	[hbm:s16] =	stream.linear.scatter [tilespmem:s13], [sflag:$0x3], $0x400, $0x38;
	[tilespmem:$0x8100] =	vst v63  }
.LBB2_2:
.Ltmp7:
0x4d: {  	(pc) =	sbr.rel .LBB2_10-.Ltmp7, $4  }
0x4e: {  	_ = 	snop  }
0x4f: {  	s12 =	sshrl.u32 s11, $0x3  }
0x50: {  	s13 =	sand.u32 $0x7, s11;
	s12 =	sadd.s32 s2, s12  }
0x51: {  	[tilespmem:s9], [sflag:$0x2] =	stream.linear.gather [hbm4b:s12+s13], $0x80, $0x38;
	[tilespmem:$0x8100] =	vst v63  }
.LBB2_11:
0x52: {  	s2 =	simm.s32 $0x3  }
0x53: {  	_ =	swait.ge [sflag:s2], $0x4000  }
0x54: {  	[sflag:s2] =	ssyncset.done $0x0  }
0x55: {  	[sflag:s2] =	ssyncadd.s32 $0xFFFFC000  }
0x56: {  	_ =	sfence.sel $0x180000  }
0x57: {  	s3 =	simm.s32 $0x2;
	[bflag:$0x0] =	sbarrier.arrive $0xFFFF  }
0x58: {  	[sflag:s3] =	ssyncpa.u1 $0x1  }
0x59: {  	s31 =	simm.s32 $0x1;
	[sflag:s2] =	ssyncpa.u1 $0x1  }
0x5a: {  	[sflag:s31] =	ssyncpa.u1 $0x1  }
0x5b: {  	p0 =	sne.s32 s1, $0x0;
	_ =	strace $0x90000047  }
0x5c: {  	s0 =	sadd.s32 @!p0 $0x100000, s0;
	[bflag:$0x2] =	sbarrier.arrive $0xFFFF  }
0x5d: {  	[sflag:s0] =	ssyncadd.tile.s32 @!p0 $0x1;
	_ =	shalt  }
.Lfunc_end2:
_tile_overlayer_lowered:
.L_overlay_start_2:
0x5e: {  	(tag) =	ssettag $0x2  }
0x5f: {  	s0 =	rddreg [dreg:$0x0];
	s2 =	stileid.u32  }
0x60: {  	s1 =	rddreg [dreg:$0x1];
	p0 =	sne.s32 s2, $0x0  }
0x61: {  	s3 =	rddreg [dreg:$0x2];
	[bflag:$0x3] =	sbarrier.arrive $0xFFFF;
	s2 =	simm.s32 @!p0 $0x1C01  }
0x62: {  	[timem:s3], [sflag:s2] =	dma.local @!p0 [hbm:s0], s1  }
0x63: {  	s0 =	simm.s32 @!p0 $0x1  }
0x64: {  	_ =	swait.ge @!p0 [sflag:s0], s1  }
0x65: {  	s1 =	ssub.s32 @!p0 $0x0, s1;
	[sflag:s0] =	ssyncset.done @!p0 $0x0  }
0x66: {  	[sflag:s0] =	ssyncadd.s32 @!p0 s1  }
0x67: {  	[bflag:$0x3] =	sbarrier.arrive $0xFFFF  }
0x68: {  	_ =	shalt  }

</sc_bundles>
